<compile_context>
chip_gen: v7x
topology: tpu7x:2x2x1
jax: 0.10.2.dev20260603
libtpu: 0.0.44.dev20260713+nightly
codegen_flags: <defaults>
</compile_context>

<pallas_src>
import functools

import jax
import jax.numpy as jnp
from jax import lax
from jax.experimental import pallas as pl
from jax.experimental.pallas import tpu as pltpu
from jax.experimental.pallas import tpu_sc as plsc

_INERTIA_W = 0.9
_COGNITIVE_W = 2.0
_SOCIAL_W = 2.0


def _row_body(p_ref, v_ref, bp_ref, r1_ref, r2_ref, gbp_ref, gbf_ref,
              row_ref, run_min_s, best_row_s, *, num_blocks, block_rows):
    i = pl.program_id(0)
    p = p_ref[...]
    pn = (p
          + _INERTIA_W * v_ref[...]
          + _COGNITIVE_W * r1_ref[...] * (bp_ref[...] - p)
          + _SOCIAL_W * r2_ref[...] * (gbp_ref[...] - p))
    ssq = jnp.sum(pn * pn, axis=1, keepdims=True)
    local_min = jnp.min(ssq, axis=0, keepdims=True)
    iota = lax.broadcasted_iota(jnp.int32, (block_rows, 1), 0)
    cand = jnp.where(ssq == local_min, iota, block_rows)
    local_idx = jnp.min(cand, axis=0, keepdims=True)
    first = iota == local_idx
    local_row = jnp.sum(jnp.where(first, pn, 0.0), axis=0, keepdims=True)

    @pl.when(i == 0)
    def _init():
        run_min_s[...] = jnp.full((1, 1), jnp.inf, jnp.float32)

    better = local_min < run_min_s[...]
    run_min_s[...] = jnp.where(better, local_min, run_min_s[...])
    best_row_s[...] = jnp.where(better, local_row, best_row_s[...])

    @pl.when(i == num_blocks - 1)
    def _finish():
        improved = jnp.sqrt(run_min_s[...]) < gbf_ref[...]
        row_ref[...] = jnp.where(improved, best_row_s[...], gbp_ref[...])


def _make_sc_broadcast(num_dim, batch):
    info = plsc.get_sparse_core_info()
    nc, ns, lanes = info.num_cores, info.num_subcores, info.num_lanes
    nw = nc * ns
    rows_per_w = batch // nw
    d_chunks = num_dim // lanes
    rep = 8
    mesh = plsc.VectorSubcoreMesh(core_axis_name="c", subcore_axis_name="s")

    @functools.partial(
        pl.kernel, mesh=mesh,
        out_type=jax.ShapeDtypeStruct((batch, num_dim), jnp.float32),
        compiler_params=pltpu.CompilerParams(needs_layout_passes=False),
        scratch_types=[
            pltpu.VMEM((1, num_dim), jnp.float32),
            pltpu.VMEM((rep, num_dim), jnp.float32),
            pltpu.SemaphoreType.DMA,
        ],
    )
    def sc_broadcast(row_hbm, out_hbm, row_v, rows_v, sem):
        wid = lax.axis_index("s") * nc + lax.axis_index("c")
        pltpu.sync_copy(row_hbm, row_v)

        def rep_body(jj, _):
            sl = pl.ds(jj * lanes, lanes)
            val = row_v[0, sl]
            for r in range(rep):
                rows_v[r, sl] = val
            return 0

        lax.fori_loop(0, d_chunks, rep_body, 0)

        base = wid * rows_per_w

        def fire(j, _):
            pltpu.make_async_copy(
                rows_v, out_hbm.at[pl.ds(base + j * rep, rep)], sem).start()
            return 0

        def drain(j, _):
            pltpu.make_async_copy(
                rows_v, out_hbm.at[pl.ds(base + j * rep, rep)], sem).wait()
            return 0

        lax.fori_loop(0, rows_per_w // rep, fire, 0)
        lax.fori_loop(0, rows_per_w // rep, drain, 0)

    return sc_broadcast


def kernel(x, positions, velocities, best_positions, global_best_position,
           best_fitness, global_best_fitness, r1, r2):
    del best_fitness
    num_particles, num_dim = positions.shape
    batch = x.shape[0]
    block_rows = 256
    num_blocks = num_particles // block_rows

    gbp2 = global_best_position.reshape(1, num_dim)
    gbf2 = global_best_fitness.reshape(1, 1)

    row_spec = pl.BlockSpec((block_rows, num_dim), lambda i: (i, 0))
    body = functools.partial(_row_body, num_blocks=num_blocks,
                             block_rows=block_rows)
    row = pl.pallas_call(
        body,
        grid=(num_blocks,),
        in_specs=[row_spec, row_spec, row_spec, row_spec, row_spec,
                  pl.BlockSpec((1, num_dim), lambda i: (0, 0)),
                  pl.BlockSpec((1, 1), lambda i: (0, 0))],
        out_specs=pl.BlockSpec((1, num_dim), lambda i: (0, 0)),
        out_shape=jax.ShapeDtypeStruct((1, num_dim), jnp.float32),
        scratch_shapes=[pltpu.VMEM((1, 1), jnp.float32),
                        pltpu.VMEM((1, num_dim), jnp.float32)],
    )(positions, velocities, best_positions, r1, r2, gbp2, gbf2)

    sc_broadcast = _make_sc_broadcast(num_dim, batch)
    return sc_broadcast(row)

# --- scband reference (transcript-rebuilt; emitter-appended) ---
"""Pipeline reference for scband-particle-swarm-optimization-50964081934824 (READ-ONLY COPY).

The authoritative reference and input builder live on the scoring server;
editing this copy changes nothing except your own understanding.
"""

import jax, jax.numpy as jnp
import numpy as np

NUM_PARTICLES = 8192
NUM_DIM = 2048
BATCH = 1024
INERTIA_W = 0.9
COGNITIVE_W = 2.0
SOCIAL_W = 2.0


def setup_inputs(seed: int = 0) -> dict:
    key = jax.random.key(seed)
    ks = jax.random.split(key, 8)
    x = jax.random.normal(ks[0], (BATCH, NUM_DIM), dtype=jnp.float32)
    positions = jax.random.normal(ks[1], (NUM_PARTICLES, NUM_DIM), dtype=jnp.float32) * 0.1
    velocities = jax.random.normal(ks[2], (NUM_PARTICLES, NUM_DIM), dtype=jnp.float32) * 0.01
    best_positions = jax.random.normal(ks[3], (NUM_PARTICLES, NUM_DIM), dtype=jnp.float32) * 0.1
    global_best_position = jax.random.normal(ks[4], (NUM_DIM,), dtype=jnp.float32)
    best_fitness = jnp.full((NUM_PARTICLES,), jnp.inf, dtype=jnp.float32)
    global_best_fitness = jnp.array(jnp.inf, dtype=jnp.float32)
    # forward re-samples r1, r2 uniformly each call; we sample them once here
    r1 = jax.random.uniform(ks[5], (NUM_PARTICLES, NUM_DIM), dtype=jnp.float32)
    r2 = jax.random.uniform(ks[6], (NUM_PARTICLES, NUM_DIM), dtype=jnp.float32)
    return {
        'x': x,
        'positions': positions,
        'velocities': velocities,
        'best_positions': best_positions,
        'global_best_position': global_best_position,
        'best_fitness': best_fitness,
        'global_best_fitness': global_best_fitness,
        'r1': r1,
        'r2': r2,
    }


def reference(x, positions, velocities, best_positions, global_best_position,
              best_fitness, global_best_fitness, r1, r2):
    # update_velocities
    inertia_component = INERTIA_W * velocities
    cognitive_component = COGNITIVE_W * r1 * (best_positions - positions)
    social_component = SOCIAL_W * r2 * (global_best_position[None, :] - positions)
    velocities_new = inertia_component + cognitive_component + social_component
    # update_positions
    positions_new = positions + velocities_new
    # fitness
    fitness = jnp.linalg.norm(positions_new, axis=1)
    # update_best_positions
    better_mask = fitness < best_fitness
    best_positions_new = jnp.where(better_mask[:, None], positions_new, best_positions)
    best_fitness_new = jnp.where(better_mask, fitness, best_fitness)
    best_idx = jnp.argmin(fitness)
    improved = fitness[best_idx] < global_best_fitness
    global_best_position_new = jnp.where(improved, positions_new[best_idx], global_best_position)
    # output: global best broadcast over batch
    out = jnp.broadcast_to(global_best_position_new[None, :], (x.shape[0], global_best_position_new.shape[0]))
    return out

if __name__ == "__main__":
    import jax
    _d = setup_inputs()
    print(jax.jit(kernel)(*tuple(_d.values())))

</pallas_src>

<mosaic_0001>
#map = affine_map<(d0, d1) -> (0, 0)>
module attributes {stable_mosaic.version = 14 : i64} {
  func.func @sc_broadcast(%arg0: i32, %arg1: i32, %arg2: memref<1x2048xf32, #tpu.memory_space<hbm>>, %arg3: memref<1024x2048xf32, #tpu.memory_space<hbm>>, %arg4: memref<1x2048xf32, #tpu.memory_space<vmem>>, %arg5: memref<8x2048xf32, #tpu.memory_space<vmem>>, %arg6: memref<!tpu.dma_semaphore, #tpu.memory_space<semaphore_mem>>) attributes {dimension_semantics = [#tpu.dimension_semantics<core_parallel>, #tpu.dimension_semantics<subcore_parallel>], iteration_bounds = array<i64: 2, 16>, scalar_prefetch = 0 : i64, scratch_operands = 3 : i64, tpu.core_type = #tpu.core_type<sc_vector_subcore>, window_params = [{transform_indices = #map}, {transform_indices = #map}]} {
    %mul3A = arith.constant 2 : i32
    %mul3A_0 = arith.muli %arg1, %mul3A : i32
    %add3A = arith.addi %mul3A_0, %arg0 : i32
    "tpu.region"() ({
      %run_scoped3A = tpu.sem_alloc : memref<!tpu.dma_semaphore, #tpu.memory_space<semaphore_mem>>
      tpu.enqueue_dma source(%arg2 : memref<1x2048xf32, #tpu.memory_space<hbm>>) target(%arg4 : memref<1x2048xf32, #tpu.memory_space<vmem>>) target_semaphore(%run_scoped3A : memref<!tpu.dma_semaphore, #tpu.memory_space<semaphore_mem>>)
      tpu.wait_dma2 semaphore(%run_scoped3A : memref<!tpu.dma_semaphore, #tpu.memory_space<semaphore_mem>>) src(%arg2 : memref<1x2048xf32, #tpu.memory_space<hbm>>) dst(%arg4 : memref<1x2048xf32, #tpu.memory_space<vmem>>)
      tpu.yield
    }) : () -> ()
    %scan3A = arith.constant 0 : i32
    %scan3A_1 = arith.constant 0 : i32
    %scan3A_2 = arith.constant 128 : i32
    %scan3A_3 = arith.addi %scan3A_1, %scan3A_2 : i32
    %scan3A_4 = arith.constant 1 : i32
    %scan3A_5 = scf.for %scan3A_23 = %scan3A_1 to %scan3A_3 step %scan3A_4 iter_args(%scan3A_24 = %scan3A) -> (i32)  : i32 {
      %mul3A_25 = arith.constant 16 : i32
      %mul3A_26 = arith.muli %scan3A_23, %mul3A_25 : i32
      %get3A = arith.constant 0 : i32
      %get3A_27 = arith.index_cast %get3A : i32 to index
      %get3A_28 = arith.index_cast %mul3A_26 : i32 to index
      %get3A_29 = tpu.vector_load %arg4[%get3A_27, %get3A_28] {strides = array<i32>} : memref<1x2048xf32, #tpu.memory_space<vmem>>, vector<16xf32>,
      %swap3A = arith.constant 0 : i32
      %swap3A_30 = arith.index_cast %swap3A : i32 to index
      %swap3A_31 = arith.index_cast %mul3A_26 : i32 to index
      %swap3A_32 = tpu.vector_load %arg5[%swap3A_30, %swap3A_31] {strides = array<i32>} : memref<8x2048xf32, #tpu.memory_space<vmem>>, vector<16xf32>,
      tpu.vector_store %arg5[%swap3A_30, %swap3A_31], %get3A_29 {strides = array<i32>} : memref<8x2048xf32, #tpu.memory_space<vmem>>, vector<16xf32>,
      %swap3A_33 = arith.constant 1 : i32
      %swap3A_34 = arith.index_cast %swap3A_33 : i32 to index
      %swap3A_35 = arith.index_cast %mul3A_26 : i32 to index
      %swap3A_36 = tpu.vector_load %arg5[%swap3A_34, %swap3A_35] {strides = array<i32>} : memref<8x2048xf32, #tpu.memory_space<vmem>>, vector<16xf32>,
      tpu.vector_store %arg5[%swap3A_34, %swap3A_35], %get3A_29 {strides = array<i32>} : memref<8x2048xf32, #tpu.memory_space<vmem>>, vector<16xf32>,
      %swap3A_37 = arith.constant 2 : i32
      %swap3A_38 = arith.index_cast %swap3A_37 : i32 to index
      %swap3A_39 = arith.index_cast %mul3A_26 : i32 to index
      %swap3A_40 = tpu.vector_load %arg5[%swap3A_38, %swap3A_39] {strides = array<i32>} : memref<8x2048xf32, #tpu.memory_space<vmem>>, vector<16xf32>,
      tpu.vector_store %arg5[%swap3A_38, %swap3A_39], %get3A_29 {strides = array<i32>} : memref<8x2048xf32, #tpu.memory_space<vmem>>, vector<16xf32>,
      %swap3A_41 = arith.constant 3 : i32
      %swap3A_42 = arith.index_cast %swap3A_41 : i32 to index
      %swap3A_43 = arith.index_cast %mul3A_26 : i32 to index
      %swap3A_44 = tpu.vector_load %arg5[%swap3A_42, %swap3A_43] {strides = array<i32>} : memref<8x2048xf32, #tpu.memory_space<vmem>>, vector<16xf32>,
      tpu.vector_store %arg5[%swap3A_42, %swap3A_43], %get3A_29 {strides = array<i32>} : memref<8x2048xf32, #tpu.memory_space<vmem>>, vector<16xf32>,
      %swap3A_45 = arith.constant 4 : i32
      %swap3A_46 = arith.index_cast %swap3A_45 : i32 to index
      %swap3A_47 = arith.index_cast %mul3A_26 : i32 to index
      %swap3A_48 = tpu.vector_load %arg5[%swap3A_46, %swap3A_47] {strides = array<i32>} : memref<8x2048xf32, #tpu.memory_space<vmem>>, vector<16xf32>,
      tpu.vector_store %arg5[%swap3A_46, %swap3A_47], %get3A_29 {strides = array<i32>} : memref<8x2048xf32, #tpu.memory_space<vmem>>, vector<16xf32>,
      %swap3A_49 = arith.constant 5 : i32
      %swap3A_50 = arith.index_cast %swap3A_49 : i32 to index
      %swap3A_51 = arith.index_cast %mul3A_26 : i32 to index
      %swap3A_52 = tpu.vector_load %arg5[%swap3A_50, %swap3A_51] {strides = array<i32>} : memref<8x2048xf32, #tpu.memory_space<vmem>>, vector<16xf32>,
      tpu.vector_store %arg5[%swap3A_50, %swap3A_51], %get3A_29 {strides = array<i32>} : memref<8x2048xf32, #tpu.memory_space<vmem>>, vector<16xf32>,
      %swap3A_53 = arith.constant 6 : i32
      %swap3A_54 = arith.index_cast %swap3A_53 : i32 to index
      %swap3A_55 = arith.index_cast %mul3A_26 : i32 to index
      %swap3A_56 = tpu.vector_load %arg5[%swap3A_54, %swap3A_55] {strides = array<i32>} : memref<8x2048xf32, #tpu.memory_space<vmem>>, vector<16xf32>,
      tpu.vector_store %arg5[%swap3A_54, %swap3A_55], %get3A_29 {strides = array<i32>} : memref<8x2048xf32, #tpu.memory_space<vmem>>, vector<16xf32>,
      %swap3A_57 = arith.constant 7 : i32
      %swap3A_58 = arith.index_cast %swap3A_57 : i32 to index
      %swap3A_59 = arith.index_cast %mul3A_26 : i32 to index
      %swap3A_60 = tpu.vector_load %arg5[%swap3A_58, %swap3A_59] {strides = array<i32>} : memref<8x2048xf32, #tpu.memory_space<vmem>>, vector<16xf32>,
      tpu.vector_store %arg5[%swap3A_58, %swap3A_59], %get3A_29 {strides = array<i32>} : memref<8x2048xf32, #tpu.memory_space<vmem>>, vector<16xf32>,
      %scan3A_61 = arith.constant 0 : i32
      scf.yield %scan3A_61 : i32
    }
    %scan3A_6 = arith.constant 128 : i32
    %mul3A_7 = arith.constant 32 : i32
    %mul3A_8 = arith.muli %add3A, %mul3A_7 : i32
    %scan3A_9 = arith.constant 0 : i32
    %scan3A_10 = arith.constant 0 : i32
    %scan3A_11 = arith.constant 4 : i32
    %scan3A_12 = arith.addi %scan3A_10, %scan3A_11 : i32
    %scan3A_13 = arith.constant 1 : i32
    %scan3A_14 = scf.for %scan3A_23 = %scan3A_10 to %scan3A_12 step %scan3A_13 iter_args(%scan3A_24 = %scan3A_9) -> (i32)  : i32 {
      %mul3A_25 = arith.constant 8 : i32
      %mul3A_26 = arith.muli %scan3A_23, %mul3A_25 : i32
      %add3A_27 = arith.addi %mul3A_8, %mul3A_26 : i32
      %dma_start3A = arith.constant 0 : i32
      %dma_start3A_28 = tpu.memref_slice %arg3[%add3A_27, %dma_start3A] : memref<1024x2048xf32, #tpu.memory_space<hbm>> -> memref<8x2048xf32, #tpu.memory_space<hbm>>
      %dma_start3A_29 = arith.constant 0 : i32
      %dma_start3A_30 = tpu.memref_slice %arg3[%add3A_27, %dma_start3A_29] : memref<1024x2048xf32, #tpu.memory_space<hbm>> -> memref<8x2048xf32, #tpu.memory_space<hbm>>
      tpu.enqueue_dma source(%arg5 : memref<8x2048xf32, #tpu.memory_space<vmem>>) target(%dma_start3A_30 : memref<8x2048xf32, #tpu.memory_space<hbm>>) target_semaphore(%arg6 : memref<!tpu.dma_semaphore, #tpu.memory_space<semaphore_mem>>)
      %scan3A_31 = arith.constant 0 : i32
      scf.yield %scan3A_31 : i32
    }
    %scan3A_15 = arith.constant 4 : i32
    %scan3A_16 = arith.constant 0 : i32
    %scan3A_17 = arith.constant 0 : i32
    %scan3A_18 = arith.constant 4 : i32
    %scan3A_19 = arith.addi %scan3A_17, %scan3A_18 : i32
    %scan3A_20 = arith.constant 1 : i32
    %scan3A_21 = scf.for %scan3A_23 = %scan3A_17 to %scan3A_19 step %scan3A_20 iter_args(%scan3A_24 = %scan3A_16) -> (i32)  : i32 {
      %mul3A_25 = arith.constant 8 : i32
      %mul3A_26 = arith.muli %scan3A_23, %mul3A_25 : i32
      %add3A_27 = arith.addi %mul3A_8, %mul3A_26 : i32
      %dma_wait3A = arith.constant 0 : i32
      %dma_wait3A_28 = tpu.memref_slice %arg3[%add3A_27, %dma_wait3A] : memref<1024x2048xf32, #tpu.memory_space<hbm>> -> memref<8x2048xf32, #tpu.memory_space<hbm>>
      %dma_wait3A_29 = arith.constant 0 : i32
      %dma_wait3A_30 = tpu.memref_slice %arg3[%add3A_27, %dma_wait3A_29] : memref<1024x2048xf32, #tpu.memory_space<hbm>> -> memref<8x2048xf32, #tpu.memory_space<hbm>>
      tpu.wait_dma2 semaphore(%arg6 : memref<!tpu.dma_semaphore, #tpu.memory_space<semaphore_mem>>) src(%arg5 : memref<8x2048xf32, #tpu.memory_space<vmem>>) dst(%dma_wait3A_30 : memref<8x2048xf32, #tpu.memory_space<hbm>>)
      %scan3A_31 = arith.constant 0 : i32
      scf.yield %scan3A_31 : i32
    }
    %scan3A_22 = arith.constant 4 : i32
    return
  }
}

module attributes {stable_mosaic.version = 14 : i64} {
  func.func @_row_body(%arg0: i32, %arg1: memref<256x2048xf32, #tpu.memory_space<vmem>>, %arg2: memref<256x2048xf32, #tpu.memory_space<vmem>>, %arg3: memref<256x2048xf32, #tpu.memory_space<vmem>>, %arg4: memref<256x2048xf32, #tpu.memory_space<vmem>>, %arg5: memref<256x2048xf32, #tpu.memory_space<vmem>>, %arg6: memref<1x2048xf32, #tpu.memory_space<vmem>>, %arg7: memref<1x1xf32, #tpu.memory_space<vmem>>, %arg8: memref<1x2048xf32, #tpu.memory_space<vmem>>, %arg9: memref<1x1xf32, #tpu.memory_space<vmem>>, %arg10: memref<1x2048xf32, #tpu.memory_space<vmem>>) attributes {dimension_semantics = [#tpu.dimension_semantics<arbitrary>], iteration_bounds = array<i64: 32>, scalar_prefetch = 0 : i64, scratch_operands = 2 : i64, tpu.core_type = #tpu.core_type<tc>, window_params = [{transform_indices = @transform_0, window_bounds = array<i64: 256, 2048>}, {transform_indices = @transform_1, window_bounds = array<i64: 256, 2048>}, {transform_indices = @transform_2, window_bounds = array<i64: 256, 2048>}, {transform_indices = @transform_3, window_bounds = array<i64: 256, 2048>}, {transform_indices = @transform_4, window_bounds = array<i64: 256, 2048>}, {pipeline_mode = #tpu.pipeline_mode<synchronous>, transform_indices = @transform_5, window_bounds = array<i64: 1, 2048>}, {pipeline_mode = #tpu.pipeline_mode<synchronous>, transform_indices = @transform_6, window_bounds = array<i64: 1, 1>}, {pipeline_mode = #tpu.pipeline_mode<synchronous>, transform_indices = @transform_7, window_bounds = array<i64: 1, 2048>}]} {
    %get3A = arith.constant 0 : index
    %get3A_0 = arith.constant 0 : index
    %get3A_1 = vector.load %arg1[%get3A, %get3A_0] : memref<256x2048xf32, #tpu.memory_space<vmem>>, vector<256x2048xf32>
    %get3A_2 = arith.constant 0 : index
    %get3A_3 = arith.constant 0 : index
    %get3A_4 = vector.load %arg2[%get3A_2, %get3A_3] : memref<256x2048xf32, #tpu.memory_space<vmem>>, vector<256x2048xf32>
    %mul3A = arith.constant 0.899999976 : f32
    %mul3A_5 = vector.broadcast %mul3A : f32 to vector<256x2048xf32>
    %mul3A_6 = arith.mulf %mul3A_5, %get3A_4 : vector<256x2048xf32>
    %add3A = arith.addf %get3A_1, %mul3A_6 : vector<256x2048xf32>
    %get3A_7 = arith.constant 0 : index
    %get3A_8 = arith.constant 0 : index
    %get3A_9 = vector.load %arg4[%get3A_7, %get3A_8] : memref<256x2048xf32, #tpu.memory_space<vmem>>, vector<256x2048xf32>
    %mul3A_10 = arith.constant 2.000000e+00 : f32
    %mul3A_11 = vector.broadcast %mul3A_10 : f32 to vector<256x2048xf32>
    %mul3A_12 = arith.mulf %mul3A_11, %get3A_9 : vector<256x2048xf32>
    %get3A_13 = arith.constant 0 : index
    %get3A_14 = arith.constant 0 : index
    %get3A_15 = vector.load %arg3[%get3A_13, %get3A_14] : memref<256x2048xf32, #tpu.memory_space<vmem>>, vector<256x2048xf32>
    %sub3A = arith.subf %get3A_15, %get3A_1 : vector<256x2048xf32>
    %mul3A_16 = arith.mulf %mul3A_12, %sub3A : vector<256x2048xf32>
    %add3A_17 = arith.addf %add3A, %mul3A_16 : vector<256x2048xf32>
    %get3A_18 = arith.constant 0 : index
    %get3A_19 = arith.constant 0 : index
    %get3A_20 = vector.load %arg5[%get3A_18, %get3A_19] : memref<256x2048xf32, #tpu.memory_space<vmem>>, vector<256x2048xf32>
    %mul3A_21 = arith.constant 2.000000e+00 : f32
    %mul3A_22 = vector.broadcast %mul3A_21 : f32 to vector<256x2048xf32>
    %mul3A_23 = arith.mulf %mul3A_22, %get3A_20 : vector<256x2048xf32>
    %get3A_24 = arith.constant 0 : index
    %get3A_25 = arith.constant 0 : index
    %get3A_26 = vector.load %arg6[%get3A_24, %get3A_25] : memref<1x2048xf32, #tpu.memory_space<vmem>>, vector<1x2048xf32>
    %sub3A_27 = vector.broadcast %get3A_26 : vector<1x2048xf32> to vector<256x2048xf32>
    %sub3A_28 = arith.subf %sub3A_27, %get3A_1 : vector<256x2048xf32>
    %mul3A_29 = arith.mulf %mul3A_23, %sub3A_28 : vector<256x2048xf32>
    %add3A_30 = arith.addf %add3A_17, %mul3A_29 : vector<256x2048xf32>
    %mul3A_31 = arith.mulf %add3A_30, %add3A_30 : vector<256x2048xf32>
    %reduce_sum3A = arith.constant dense<0.000000e+00> : vector<256xf32>
    %reduce_sum3A_32 = vector.multi_reduction <add>, %mul3A_31, %reduce_sum3A [1] : vector<256x2048xf32> to vector<256xf32>
    %broadcast_in_dim3A = vector.shape_cast %reduce_sum3A_32 : vector<256xf32> to vector<256x1xf32>
    %reduce_min3A = arith.constant dense<0x7F800000> : vector<1xf32>
    %reduce_min3A_33 = vector.multi_reduction <minimumf>, %broadcast_in_dim3A, %reduce_min3A [0] : vector<256x1xf32> to vector<1xf32>
    %broadcast_in_dim3A_34 = vector.shape_cast %reduce_min3A_33 : vector<1xf32> to vector<1x1xf32>
    %iota3A = tpu.iota {dimensions = array<i32: 0>} : vector<256x1xi32>
    %eq3A = vector.broadcast %broadcast_in_dim3A_34 : vector<1x1xf32> to vector<256x1xf32>
    %eq3A_35 = arith.cmpf oeq, %broadcast_in_dim3A, %eq3A : vector<256x1xf32>
    %jit3A = arith.constant 256 : i32
    %broadcast_in_dim3A_36 = vector.broadcast %jit3A : i32 to vector<256x1xi32>
    %select_n3A = arith.select %eq3A_35, %iota3A, %broadcast_in_dim3A_36 : vector<256x1xi1>, vector<256x1xi32>
    %reduce_min3A_37 = arith.constant dense<2147483647> : vector<1xi32>
    %reduce_min3A_38 = vector.multi_reduction <minsi>, %select_n3A, %reduce_min3A_37 [0] : vector<256x1xi32> to vector<1xi32>
    %broadcast_in_dim3A_39 = vector.shape_cast %reduce_min3A_38 : vector<1xi32> to vector<1x1xi32>
    %eq3A_40 = vector.broadcast %broadcast_in_dim3A_39 : vector<1x1xi32> to vector<256x1xi32>
    %eq3A_41 = arith.cmpi eq, %iota3A, %eq3A_40 : vector<256x1xi32>
    %jit3A_42 = arith.constant 0.000000e+00 : f32
    %broadcast_in_dim3A_43 = vector.shape_cast %eq3A_41 : vector<256x1xi1> to vector<256x1xi1>
    %broadcast_in_dim3A_44 = vector.broadcast %broadcast_in_dim3A_43 : vector<256x1xi1> to vector<256x2048xi1>
    %broadcast_in_dim3A_45 = vector.broadcast %jit3A_42 : f32 to vector<256x2048xf32>
    %select_n3A_46 = arith.select %broadcast_in_dim3A_44, %add3A_30, %broadcast_in_dim3A_45 : vector<256x2048xi1>, vector<256x2048xf32>
    %reduce_sum3A_47 = arith.constant dense<0.000000e+00> : vector<2048xf32>
    %reduce_sum3A_48 = vector.multi_reduction <add>, %select_n3A_46, %reduce_sum3A_47 [0] : vector<256x2048xf32> to vector<2048xf32>
    %broadcast_in_dim3A_49 = vector.shape_cast %reduce_sum3A_48 : vector<2048xf32> to vector<1x2048xf32>
    %eq3A_50 = arith.constant 0 : i32
    %eq3A_51 = arith.cmpi eq, %arg0, %eq3A_50 : i32
    %convert_element_type3A = arith.extui %eq3A_51 : i1 to i32
    %cond3A = arith.constant 0 : i32
    %cond3A_52 = arith.cmpi ne, %convert_element_type3A, %cond3A : i32
    scf.if %cond3A_52 {
      %broadcast_in_dim3A_76 = arith.constant 0x7F800000 : f32
      %broadcast_in_dim3A_77 = vector.broadcast %broadcast_in_dim3A_76 : f32 to vector<1x1xf32>
      %swap3A_78 = arith.constant 0 : index
      %swap3A_79 = arith.constant 0 : index
      %swap3A_80 = vector.load %arg9[%swap3A_78, %swap3A_79] : memref<1x1xf32, #tpu.memory_space<vmem>>, vector<1x1xf32>
      tpu.vector_store %arg9[%swap3A_78, %swap3A_79], %broadcast_in_dim3A_77 {strides = array<i32>} : memref<1x1xf32, #tpu.memory_space<vmem>>, vector<1x1xf32>,
    } else {
    }
    %get3A_53 = arith.constant 0 : index
    %get3A_54 = arith.constant 0 : index
    %get3A_55 = vector.load %arg9[%get3A_53, %get3A_54] : memref<1x1xf32, #tpu.memory_space<vmem>>, vector<1x1xf32>
    %lt3A = arith.cmpf olt, %broadcast_in_dim3A_34, %get3A_55 : vector<1x1xf32>
    %get3A_56 = arith.constant 0 : index
    %get3A_57 = arith.constant 0 : index
    %get3A_58 = vector.load %arg9[%get3A_56, %get3A_57] : memref<1x1xf32, #tpu.memory_space<vmem>>, vector<1x1xf32>
    %select_n3A_59 = arith.select %lt3A, %broadcast_in_dim3A_34, %get3A_58 : vector<1x1xi1>, vector<1x1xf32>
    %swap3A = arith.constant 0 : index
    %swap3A_60 = arith.constant 0 : index
    %swap3A_61 = vector.load %arg9[%swap3A, %swap3A_60] : memref<1x1xf32, #tpu.memory_space<vmem>>, vector<1x1xf32>
    tpu.vector_store %arg9[%swap3A, %swap3A_60], %select_n3A_59 {strides = array<i32>} : memref<1x1xf32, #tpu.memory_space<vmem>>, vector<1x1xf32>,
    %get3A_62 = arith.constant 0 : index
    %get3A_63 = arith.constant 0 : index
    %get3A_64 = vector.load %arg10[%get3A_62, %get3A_63] : memref<1x2048xf32, #tpu.memory_space<vmem>>, vector<1x2048xf32>
    %broadcast_in_dim3A_65 = vector.shape_cast %lt3A : vector<1x1xi1> to vector<1x1xi1>
    %broadcast_in_dim3A_66 = vector.broadcast %broadcast_in_dim3A_65 : vector<1x1xi1> to vector<1x2048xi1>
    %select_n3A_67 = arith.select %broadcast_in_dim3A_66, %broadcast_in_dim3A_49, %get3A_64 : vector<1x2048xi1>, vector<1x2048xf32>
    %swap3A_68 = arith.constant 0 : index
    %swap3A_69 = arith.constant 0 : index
    %swap3A_70 = vector.load %arg10[%swap3A_68, %swap3A_69] : memref<1x2048xf32, #tpu.memory_space<vmem>>, vector<1x2048xf32>
    tpu.vector_store %arg10[%swap3A_68, %swap3A_69], %select_n3A_67 {strides = array<i32>} : memref<1x2048xf32, #tpu.memory_space<vmem>>, vector<1x2048xf32>,
    %eq3A_71 = arith.constant 31 : i32
    %eq3A_72 = arith.cmpi eq, %arg0, %eq3A_71 : i32
    %convert_element_type3A_73 = arith.extui %eq3A_72 : i1 to i32
    %cond3A_74 = arith.constant 0 : i32
    %cond3A_75 = arith.cmpi ne, %convert_element_type3A_73, %cond3A_74 : i32
    scf.if %cond3A_75 {
      %get3A_76 = arith.constant 0 : index
      %get3A_77 = arith.constant 0 : index
      %get3A_78 = vector.load %arg9[%get3A_76, %get3A_77] : memref<1x1xf32, #tpu.memory_space<vmem>>, vector<1x1xf32>
      %sqrt3A = math.sqrt %get3A_78 : vector<1x1xf32>
      %get3A_79 = arith.constant 0 : index
      %get3A_80 = arith.constant 0 : index
      %get3A_81 = vector.load %arg7[%get3A_79, %get3A_80] : memref<1x1xf32, #tpu.memory_space<vmem>>, vector<1x1xf32>
      %lt3A_82 = arith.cmpf olt, %sqrt3A, %get3A_81 : vector<1x1xf32>
      %get3A_83 = arith.constant 0 : index
      %get3A_84 = arith.constant 0 : index
      %get3A_85 = vector.load %arg10[%get3A_83, %get3A_84] : memref<1x2048xf32, #tpu.memory_space<vmem>>, vector<1x2048xf32>
      %get3A_86 = arith.constant 0 : index
      %get3A_87 = arith.constant 0 : index
      %get3A_88 = vector.load %arg6[%get3A_86, %get3A_87] : memref<1x2048xf32, #tpu.memory_space<vmem>>, vector<1x2048xf32>
      %broadcast_in_dim3A_89 = vector.shape_cast %lt3A_82 : vector<1x1xi1> to vector<1x1xi1>
      %broadcast_in_dim3A_90 = vector.broadcast %broadcast_in_dim3A_89 : vector<1x1xi1> to vector<1x2048xi1>
      %select_n3A_91 = arith.select %broadcast_in_dim3A_90, %get3A_85, %get3A_88 : vector<1x2048xi1>, vector<1x2048xf32>
      %swap3A_92 = arith.constant 0 : index
      %swap3A_93 = arith.constant 0 : index
      %swap3A_94 = vector.load %arg8[%swap3A_92, %swap3A_93] : memref<1x2048xf32, #tpu.memory_space<vmem>>, vector<1x2048xf32>
      tpu.vector_store %arg8[%swap3A_92, %swap3A_93], %select_n3A_91 {strides = array<i32>} : memref<1x2048xf32, #tpu.memory_space<vmem>>, vector<1x2048xf32>,
    } else {
    }
    return
  }
  func.func @transform_0(%arg0: i32) -> (i32, i32) {
    %c0_i32 = arith.constant 0 : i32
    %c0_i32_0 = arith.constant 0 : i32
    return %arg0, %c0_i32 : i32, i32
  }
  func.func @transform_1(%arg0: i32) -> (i32, i32) {
    %c0_i32 = arith.constant 0 : i32
    %c0_i32_0 = arith.constant 0 : i32
    return %arg0, %c0_i32 : i32, i32
  }
  func.func @transform_2(%arg0: i32) -> (i32, i32) {
    %c0_i32 = arith.constant 0 : i32
    %c0_i32_0 = arith.constant 0 : i32
    return %arg0, %c0_i32 : i32, i32
  }
  func.func @transform_3(%arg0: i32) -> (i32, i32) {
    %c0_i32 = arith.constant 0 : i32
    %c0_i32_0 = arith.constant 0 : i32
    return %arg0, %c0_i32 : i32, i32
  }
  func.func @transform_4(%arg0: i32) -> (i32, i32) {
    %c0_i32 = arith.constant 0 : i32
    %c0_i32_0 = arith.constant 0 : i32
    return %arg0, %c0_i32 : i32, i32
  }
  func.func @transform_5(%arg0: i32) -> (i32, i32) {
    %c0_i32 = arith.constant 0 : i32
    %c0_i32_0 = arith.constant 0 : i32
    %c0_i32_1 = arith.constant 0 : i32
    return %c0_i32, %c0_i32_0 : i32, i32
  }
  func.func @transform_6(%arg0: i32) -> (i32, i32) {
    %c0_i32 = arith.constant 0 : i32
    %c0_i32_0 = arith.constant 0 : i32
    %c0_i32_1 = arith.constant 0 : i32
    return %c0_i32, %c0_i32_0 : i32, i32
  }
  func.func @transform_7(%arg0: i32) -> (i32, i32) {
    %c0_i32 = arith.constant 0 : i32
    %c0_i32_0 = arith.constant 0 : i32
    %c0_i32_1 = arith.constant 0 : i32
    return %c0_i32, %c0_i32_0 : i32, i32
  }
}

</mosaic_0001>

<sc_bundles>
// kernel: kernel.4.cloned.1.call-start
scs
__scs_entry_jumppad:
0x0: {  	(pc) =	sbr.rel $0x88, $3  }
0x1: {  	(tag) =	ssettag $0x0;
	lr =	simm.s32 $0x1  }
0x2: {  	[smem:$0x3F9A] =	sst lr;
	_ =	strace $0xD0000000  }
0x3: {  	_ = 	snop  }
0x4: {  	_ = 	snop  }
0x5: {  	_ = 	snop  }
0x6: {  	_ = 	snop  }
0x7: {  	_ = 	snop  }
__scs_overlays_trampoline_lowered:
0x8: {  	[smem:$0x3FA9] =	sst s0  }
0x9: {  	[smem:$0x3FAA] =	sst s1  }
0xa: {  	[smem:$0x3FAB] =	sst s2  }
0xb: {  	[smem:$0x3FAC] =	sst s3  }
0xc: {  	[smem:$0x3FAD] =	sst s4  }
0xd: {  	[smem:$0x3FAE] =	sst s5  }
0xe: {  	[smem:$0x3FAF] =	sst s6  }
0xf: {  	[smem:$0x3FB0] =	sst s7  }
0x10: {  	[smem:$0x3FB1] =	sst s8  }
0x11: {  	[smem:$0x3FB2] =	sst s9;
	s0 =	simm.s32 @!p0 $0x0  }
0x12: {  	s1 =	sld [smem:$0x3F98];
	s0 =	simm.s32 @p0 $0x1  }
0x13: {  	[smem:$0x3FB3] =	sst s0;
	s0 =	simm.s32 @!p1 $0x0  }
0x14: {  	s2 =	sld [smem:$0x3F97];
	s0 =	simm.s32 @p1 $0x1  }
0x15: {  	[smem:$0x3FB4] =	sst s0;
	s0 =	simm.s32 @!p2 $0x0  }
0x16: {  	s3 =	sld [smem:$0x3FDB];
	s0 =	simm.s32 @p2 $0x1  }
0x17: {  	s4 =	simm.s32 $0x1BF5;
	[smem:$0x3FB6] =	sst s0  }
0x18: {  	s0 =	sld [smem:$0x3F99];
	_ =	swait.ge [sflag:s4], $0x0  }
0x19: {  	s7 =	sld [smem:$0x3F9A]  }
0x1a: {  	s8 =	sadd.s32 $0xFFFFE003, lr  }
0x1b: {  	s9 =	sadd.s32 $0xFFFFFEF7, lr;
	s5 =	simm.s32 $0xFFFFFFFF;
	p2 =	slt.u32 s8, $0xFFFFF086  }
0x1c: {  	p1 =	slt.u32 s9, $0xF7A;
	s5 =	simm.s32 @!p2 $0x0  }
0x1d: {  	s5 =	simm.s32 @p1 $0x1;
	p0 =	seq.s32 s7, s2  }
0x1e: {  	s7 =	smul.u32 @!p0 $0xF7A, s2;
	p2 =	seq.s32 @!p0 s5, $0x0  }
0x1f: {  	s9 =	smul.u32 $0xF7A, s1;
	s8 =	simm.s32 @!p0 $0x1BF5;
	p2 =	por !p2, p0  }
0x20: {  	[sflag:s8] =	ssyncset.s32 @!p0 $0xFFFFF086;
	s6 =	sadd.s32 @!p0 s3, s7;
	s7 =	simm.s32 @!p0 $0x108  }
0x21: {  	s3 =	sadd.s32 s3, s9;
	s6 =	sadd.s32 @!p0 $0x88, s6;
	s7 =	simm.s32 @p2 $0x1082  }
0x22: {  	[simem:s7], [sflag:s8] =	dma.local @!p0 [hbm:s6], $0xF7A  }
0x23: {  	s9 =	sor.u32 $0xD0000000, s2;
	s6 =	simm.s32 $0x108;
	_ =	swait.ge @!p0 [sflag:s8], $0x0  }
0x24: {  	s3 =	sadd.s32 $0x88, s3;
	s6 =	simm.s32 @!p1 $0x1082;
	[sflag:s4] =	ssyncset.s32 $0xFFFFF086  }
0x25: {  	[simem:s6], [sflag:s4] =	dma.local [hbm:s3], $0xF7A  }
0x26: {  	[smem:$0x3F9A] =	sst s1;
	(tag) =	ssettag s2;
	_ =	strace s9  }
0x27: {  	s1 =	sld [smem:$0x3FAA]  }
0x28: {  	s2 =	sld [smem:$0x3FAB]  }
0x29: {  	s4 =	sld [smem:$0x3FAD]  }
0x2a: {  	p0 =	seq.s32 s5, $0x0;
	s5 =	sld [smem:$0x3FAE]  }
0x2b: {  	s6 =	sld [smem:$0x3FAF]  }
0x2c: {  	s7 =	sld [smem:$0x3FB0]  }
0x2d: {  	s3 =	simm.s32 $0x108;
	s8 =	sld [smem:$0x3FB1]  }
0x2e: {  	s3 =	simm.s32 @!p0 $0x1082;
	s9 =	sld [smem:$0x3FB2]  }
0x2f: {  	lr =	sadd.s32 s0, s3;
	s0 =	sld [smem:$0x3FA9]  }
0x30: {  	s3 =	sld [smem:$0x3FAC]  }
0x31: {  	[smem:$0x3FB5] =	sst s10  }
0x32: {  	s10 =	sld [smem:$0x3FB3];
	_ =	sdelay $0x3  }
0x33: {  	p0 =	seq.s32 s10, $0x1;
	s10 =	sld [smem:$0x3FB5];
	_ =	sdelay $0x3  }
0x34: {  	[smem:$0x3FB5] =	sst s10  }
0x35: {  	s10 =	sld [smem:$0x3FB4];
	_ =	sdelay $0x3  }
0x36: {  	p1 =	seq.s32 s10, $0x1;
	s10 =	sld [smem:$0x3FB5];
	_ =	sdelay $0x3  }
0x37: {  	[smem:$0x3FB5] =	sst s10  }
0x38: {  	s10 =	sld [smem:$0x3FB6]  }
0x39: {  	_ = 	snop;
	(pc) =	sbr.ind lr, $3  }
0x3a: {  	_ = 	snop  }
0x3b: {  	_ = 	snop  }
0x3c: {  	p2 =	seq.s32 s10, $0x1;
	s10 =	sld [smem:$0x3FB5]  }
0x3d: {  	_ =	shalt  }
0x3e: {  	_ =	shalt  }
0x3f: {  	_ =	shalt  }
0x40: {  	_ =	shalt  }
0x41: {  	_ =	shalt  }
0x42: {  	_ =	shalt  }
0x43: {  	_ =	shalt  }
0x44: {  	_ =	shalt  }
0x45: {  	_ =	shalt  }
0x46: {  	_ =	shalt  }
0x47: {  	_ =	shalt  }
0x48: {  	_ =	shalt  }
0x49: {  	_ =	shalt  }
0x4a: {  	_ =	shalt  }
0x4b: {  	_ =	shalt  }
0x4c: {  	_ =	shalt  }
0x4d: {  	_ =	shalt  }
0x4e: {  	_ =	shalt  }
0x4f: {  	_ =	shalt  }
0x50: {  	_ =	shalt  }
0x51: {  	_ =	shalt  }
0x52: {  	_ =	shalt  }
0x53: {  	_ =	shalt  }
0x54: {  	_ =	shalt  }
0x55: {  	_ =	shalt  }
0x56: {  	_ =	shalt  }
0x57: {  	_ =	shalt  }
0x58: {  	_ =	shalt  }
0x59: {  	_ =	shalt  }
0x5a: {  	_ =	shalt  }
0x5b: {  	_ =	shalt  }
0x5c: {  	_ =	shalt  }
0x5d: {  	_ =	shalt  }
0x5e: {  	_ =	shalt  }
0x5f: {  	_ =	shalt  }
0x60: {  	_ =	shalt  }
0x61: {  	_ =	shalt  }
0x62: {  	_ =	shalt  }
0x63: {  	_ =	shalt  }
0x64: {  	_ =	shalt  }
0x65: {  	_ =	shalt  }
0x66: {  	_ =	shalt  }
0x67: {  	_ =	shalt  }
0x68: {  	_ =	shalt  }
0x69: {  	_ =	shalt  }
0x6a: {  	_ =	shalt  }
0x6b: {  	_ =	shalt  }
0x6c: {  	_ =	shalt  }
0x6d: {  	_ =	shalt  }
0x6e: {  	_ =	shalt  }
0x6f: {  	_ =	shalt  }
0x70: {  	_ =	shalt  }
0x71: {  	_ =	shalt  }
0x72: {  	_ =	shalt  }
0x73: {  	_ =	shalt  }
0x74: {  	_ =	shalt  }
0x75: {  	_ =	shalt  }
0x76: {  	_ =	shalt  }
0x77: {  	_ =	shalt  }
0x78: {  	_ =	shalt  }
0x79: {  	_ =	shalt  }
0x7a: {  	_ =	shalt  }
0x7b: {  	_ =	shalt  }
0x7c: {  	_ =	shalt  }
0x7d: {  	_ =	shalt  }
0x7e: {  	_ =	shalt  }
0x7f: {  	_ =	shalt  }
0x80: {  	_ =	shalt  }
0x81: {  	_ =	shalt  }
0x82: {  	_ =	shalt  }
0x83: {  	_ =	shalt  }
0x84: {  	_ =	shalt  }
0x85: {  	_ =	shalt  }
0x86: {  	_ =	shalt  }
0x87: {  	_ =	shalt  }
.Lfunc_end0:
.L_simem_size_0:
called_computation_lowered:
.L_overlay_start_0:
0x88: {  	s2 =	sld [smem:$0x3FD9]  }
0x89: {  	s3 =	sld [smem:$0x3FFE];
	_ =	sdelay $0x1  }
0x8a: {  	s1 =	srdreg.scid  }
0x8b: {  	s0 =	sand.u32 $0x1, s1  }
0x8c: {  	s17 =	sshll.u32 s0, $0xA;
	s2 =	sadd.s32 s3, s2  }
0x8d: {  	s2 =	sadd.s32 s2, s17  }
0x8e: {  	[smem:$0x3FC1] =	sst s2  }
0x8f: {  	_ = 	snop  }
0x90: {  	s2 =	sld [smem:$0x3FD0];
	(tm) =	ssettm $0x1  }
0x91: {  	s18 =	sld [smem:$0x3FFB];
	_ =	sdelay $0x3  }
0x92: {  	_ =	strace s18  }
0x93: {  	s3 =	sld [smem:$0x3FFC];
	_ =	sdelay $0x3  }
0x94: {  	_ =	strace s3  }
0x95: {  	s3 =	sld [smem:$0x3FFD];
	_ =	sdelay $0x3  }
0x96: {  	_ =	strace s3  }
0x97: {  	_ =	strace $0x8FFFFFFF  }
0x98: {  	s19 =	sld [smem:$0x3FDB];
	_ =	sdelay $0x1  }
0x99: {  	s4 =	simm.s32 $_scs_section_size  }
0x9a: {  	s5 =	simm.s32 $_size__tile_overlayer_lowered;
	s6 =	simm.s32 $_tile_overlayer_lowered  }
0x9b: {  	s22 =	simm.s32 $0x1BFF;
	s21 =	sshll.u32 s6, $0x1;
	s3 =	sadd.s32 s4, s19  }
0x9c: {  	s7 =	simm.s32 $0x0;
	s20 =	sshll.u32 s5, $0x1;
	s5 =	sadd.s32 s21, s3  }
0x9d: {  	[timem:s7], [sflag:s22] =	dma.local [hbm:s5], s20  }
0x9e: {  	_ =	swait.ge [sflag:s22], s20  }
0x9f: {  	s4 =	ssub.s32 $0x0, s20;
	[sflag:s22] =	ssyncset.done $0x0  }
0xa0: {  	[sflag:s22] =	ssyncadd.s32 s4;
	_ =	sdelay $0x1  }
0xa1: {  	s23 =	simm.s32 $0x1B8B  }
0xa2: {  	_ =	swait.ge [sflag:s23], $0x1  }
0xa3: {  	[sflag:s23] =	ssyncset.done $0x0  }
0xa4: {  	s25 =	simm.s32 $0x1B8E;
	s24 =	sld [smem:$0x3FFE];
	[sflag:s23] =	ssyncadd.s32 $0xFFFFFFFF  }
0xa5: {  	s26 =	simm.s32 $execute0_lowered;
	[smem:$0x3FD2] =	sst s25  }
0xa6: {  	s5 =	sshll.u32 s26, $0x1;
	_ =	strace $0x80000046;
	[dreg:$0x1] =	wrdreg $0xFFFFFFFF  }
0xa7: {  	s28 =	simm.s32 $_size_execute0_lowered;
	s3 =	sadd.s32 s3, s5;
	[dreg:$0x0] =	wrdreg $0x0  }
0xa8: {  	s5 =	sshll.u32 s28, $0x1;
	[dreg:$0x2] =	wrdreg s3  }
0xa9: {  	[dreg:$0x3] =	wrdreg s5  }
0xaa: {  	[dreg:$0x4] =	wrdreg $0xC0  }
0xab: {  	_ =	task [dreg:s7], $0x5FFFF  }
0xac: {  	[dreg:$0x1] =	wrdreg $0xFFFFFFFF  }
0xad: {  	[dreg:$0x0] =	wrdreg $0x60  }
0xae: {  	[dreg:$0x2] =	wrdreg s24  }
0xaf: {  	[dreg:$0x3] =	wrdreg s2  }
0xb0: {  	[dreg:$0x4] =	wrdreg $0x9  }
0xb1: {  	_ =	task.clear_ibuf [dreg:s7], $0x5FFFF;
	_ =	strace $0x90000046  }
0xb2: {  	s29 =	simm.s32 $0x9;
	_ =	strace $0x80000048  }
0xb3: {  	_ =	swait.ge [sflag:s29], $0x1  }
0xb4: {  	[sflag:s29] =	ssyncadd.s32 $0xFFFFFFFF  }
0xb5: {  	_ =	strace $0x90000048  }
0xb6: {  	_ =	sfence  }
0xb7: {  	s30 =	sld [smem:$0x0];
	_ =	sdelay $0x2  }
0xb8: {  	s31 =	sshll.u32 s1, $0xD;
	s1 =	sshrl.u32 s1, $0x2  }
0xb9: {  	s3 =	sand.u32 $0x4000, s31;
	s1 =	sadd.s32 s1, s30  }
0xba: {  	s0 =	sor.u32 s3, s0;
	s1 =	sshll.u32 s1, $0x11  }
0xbb: {  	s0 =	sor.u32 s1, s0  }
0xbc: {  	s0 =	sadd.s32 $0x8F2B, s0  }
0xbd: {  	[sflag:s0] =	ssyncadd.remote.s32 $0x1  }
0xbe: {  	_ =	sfence.sel $0xFFFF  }
0xbf: {  	[dreg:$0x0] =	wrdreg $0xFFFFFFFF;
	(pc) =	sbr.abs _section_cstart, $3  }
0xc0: {  	[dreg:$0x1] =	wrdreg $0xFFFFFFFF  }
0xc1: {  	_ =	task.clear_ibuf [dreg:s7], $0x2FFFF;
	_ =	strace $0x9FFFFFFF  }
0xc2: {  	(tm) =	ssettm $0x7FFFFFFF  }
0xc3: {  	_ =	shalt  }
tec
execute0_lowered:
.L_overlay_start_1:
0x0: {  	(tag) =	ssettag $0x1  }
0x1: {  	s4 =	rddreg [dreg:$0x0]  }
0x2: {  	s3 =	rddreg [dreg:$0x1]  }
0x3: {  	s0 =	rddreg [dreg:$0x2];
	s5 =	srdreg.scid  }
0x4: {  	s2 =	simm.s32 $0x0;
	s1 =	stileid.u32;
	s9 =	simm.s32 $0x2  }
0x5: {  	s10 =	simm.s32 $0x800;
	s11 =	simm.s32 $0x1;
	s5 =	sand.u32 $0x1, s5  }
0x6: {  	s12 =	simm.s32 $0x0;
	s7 =	sshll.u32 s1, $0xE;
	s6 =	ssub.s32 $0x2, s5  }
0x7: {  	[smem:$0x7FF] =	sst s2;
	s5 =	sshll.u32 s5, $0xD;
	s8 =	sshrl.u32 s6, $0x1  }
0x8: {  	s4 =	sadd.s32 $0x800, s4;
	s5 =	sor.u32 s5, s7;
	s6 =	ssub.s32 s6, s8  }
0x9: {  	_ =	strace $0x80000047;
	s3 =	sadd.s32 s3, s5;
	s5 =	smax.u32 s6, $0x1  }
0xa: {  	s6 =	sadd.s32 $0x800, s3;
	s7 =	sadd.s32 $0x1000, s3;
	s8 =	sadd.s32 $0x1800, s3  }
.LBB2_1:
0xb: {  	[tilespmem:s2], [sflag:$0x2] =	stream.linear.gather [hbm4b:s4+s2], $0x800, $0x38;
	[tilespmem:$0x4800] =	vst v63  }
0xc: {  	_ =	swait.ge [sflag:s9], $0x800  }
0xd: {  	[sflag:s9] =	ssyncset.done $0x0  }
0xe: {  	[sflag:s9] =	ssyncadd.s32 $0xFFFFF800  }
0xf: {  	v0 =	vld [tilespmem:s2+$0x0];
	_ =	sdelay $0x2  }
0x10: {  	s13 =	sand.u32 $0x70, s2;
	s14 =	sand.u32 $0x3C00, s2  }
0x11: {  	s16 =	sor.u32 s13, s14  }
0x12: {  	[tilespmem:s16+$0x800] =	vst v0  }
0x13: {  	s15 =	simm.s32 $0x0;
	[tilespmem:s16+$0x880] =	vst v0  }
0x14: {  	s17 =	simm.s32 $0x0;
	s14 =	simm.s32 $0x10;
	s13 =	simm.s32 $0x0;
	[tilespmem:s16+$0x900] =	vst v0  }
.LBB2_2:
0x15: {  	p0 =	sne.s32 s14, $0x7F0;
	s18 =	sand.u32 $0x7, s15;
	[tilespmem:s16+$0x980] =	vst v0  }
0x16: {  	s18 =	sshll.u32 s18, $0x4;
	[tilespmem:s16+$0xA00] =	vst v0  }
0x17: {  	s18 =	sadd.s32 s18, s13;
	[tilespmem:s16+$0xA80] =	vst v0  }
0x18: {  	[tilespmem:s16+$0xB00] =	vst v0;
	s16 =	sor.u32 $0x380, s18  }
0x19: {  	s17 =	sadd.s32 $0x10, s17;
	[tilespmem:s16+$0x800] =	vst v0  }
0x1a: {  	v0 =	vld [tilespmem:s17+$0x0];
	_ =	sdelay $0x1  }
0x1b: {  	s13 =	sadd.s32 $0x80, s13  }
.Ltmp0:
0x1c: {  	s18 =	sand.u32 $0x3C00, s13;
	s16 =	sand.u32 $0x70, s14;
	(pc) =	sbr.rel @p0 .LBB2_2-.Ltmp0, $4  }
0x1d: {  	s16 =	sor.u32 s16, s18  }
0x1e: {  	[tilespmem:s16+$0x800] =	vst v0  }
0x1f: {  	[tilespmem:s16+$0x880] =	vst v0  }
0x20: {  	s15 =	sadd.s32 $0x1, s15;
	s14 =	sadd.s32 $0x10, s14;
	[tilespmem:s16+$0x900] =	vst v0  }
0x21: {  	s14 =	sand.u32 $0x7, s15;
	[tilespmem:s16+$0x980] =	vst v0  }
0x22: {  	[tilespmem:s16+$0xA00] =	vst v0;
	s14 =	sshll.u32 s14, $0x4  }
0x23: {  	[tilespmem:s16+$0xA80] =	vst v0;
	s13 =	sadd.s32 s14, s13  }
0x24: {  	[tilespmem:s16+$0xB00] =	vst v0;
	s13 =	sor.u32 $0x380, s13  }
0x25: {  	[tilespmem:s13+$0x800] =	vst v0  }
0x26: {  	[hbm4b:s3+s2] =	stream.linear.scatter [tilespmem:s10], [sflag:$0x1], $0x4000, $0x38;
	[tilespmem:$0x4800] =	vst v63  }
0x27: {  	_ = 	snop  }
0x28: {  	[hbm4b:s6+s2] =	stream.linear.scatter [tilespmem:s10], [sflag:$0x1], $0x4000, $0x38;
	[tilespmem:$0x4800] =	vst v63  }
0x29: {  	_ = 	snop  }
0x2a: {  	[hbm4b:s7+s2] =	stream.linear.scatter [tilespmem:s10], [sflag:$0x1], $0x4000, $0x38;
	[tilespmem:$0x4800] =	vst v63  }
0x2b: {  	_ = 	snop  }
0x2c: {  	[hbm4b:s8+s2] =	stream.linear.scatter [tilespmem:s10], [sflag:$0x1], $0x4000, $0x38;
	[tilespmem:$0x4800] =	vst v63  }
0x2d: {  	_ =	swait.ge [sflag:s11], $0x4000  }
0x2e: {  	[sflag:s11] =	ssyncset.done $0x0  }
0x2f: {  	[sflag:s11] =	ssyncadd.s32 $0xFFFFC000  }
0x30: {  	_ =	swait.ge [sflag:s11], $0x4000  }
0x31: {  	[sflag:s11] =	ssyncset.done $0x0  }
0x32: {  	s12 =	sadd.s32 $0x1, s12;
	[sflag:s11] =	ssyncadd.s32 $0xFFFFC000  }
0x33: {  	p0 =	sne.s32 s12, s5;
	_ =	swait.ge [sflag:s11], $0x4000  }
.Ltmp1:
0x34: {  	[sflag:s11] =	ssyncset.done $0x0;
	(pc) =	sbr.rel @p0 .LBB2_1-.Ltmp1, $4  }
0x35: {  	[sflag:s11] =	ssyncadd.s32 $0xFFFFC000  }
0x36: {  	_ =	swait.ge [sflag:s11], $0x4000  }
0x37: {  	[sflag:s11] =	ssyncset.done $0x0  }
0x38: {  	[sflag:s11] =	ssyncadd.s32 $0xFFFFC000  }
0x39: {  	_ =	sfence.sel $0x180000  }
0x3a: {  	[bflag:$0x0] =	sbarrier.arrive $0xFFFF  }
0x3b: {  	p0 =	sne.s32 s1, $0x0;
	_ =	strace $0x90000047  }
0x3c: {  	s0 =	sadd.s32 @!p0 $0x100000, s0;
	[bflag:$0x2] =	sbarrier.arrive $0xFFFF  }
0x3d: {  	[sflag:s0] =	ssyncadd.tile.s32 @!p0 $0x1;
	_ =	shalt  }
.Lfunc_end2:
_tile_overlayer_lowered:
.L_overlay_start_2:
0x3e: {  	(tag) =	ssettag $0x2  }
0x3f: {  	s0 =	rddreg [dreg:$0x0];
	s2 =	stileid.u32  }
0x40: {  	s1 =	rddreg [dreg:$0x1];
	p0 =	sne.s32 s2, $0x0  }
0x41: {  	s3 =	rddreg [dreg:$0x2];
	[bflag:$0x3] =	sbarrier.arrive $0xFFFF;
	s2 =	simm.s32 @!p0 $0x1C02  }
0x42: {  	[timem:s3], [sflag:s2] =	dma.local @!p0 [hbm:s0], s1  }
0x43: {  	s0 =	simm.s32 @!p0 $0x2  }
0x44: {  	_ =	swait.ge @!p0 [sflag:s0], s1  }
0x45: {  	s1 =	ssub.s32 @!p0 $0x0, s1;
	[sflag:s0] =	ssyncset.done @!p0 $0x0  }
0x46: {  	[sflag:s0] =	ssyncadd.s32 @!p0 s1  }
0x47: {  	[bflag:$0x3] =	sbarrier.arrive $0xFFFF  }
0x48: {  	_ =	shalt  }

</sc_bundles>
